<compile_context>
chip_gen: v7x
topology: tpu7x:2x2x1
jax: 0.10.2.dev20260603
libtpu: 0.0.44.dev20260713+nightly
codegen_flags: <defaults>
</compile_context>

<pallas_src>
import dataclasses
import functools

import jax
import jax.numpy as jnp
from jax import lax
from jax.experimental import pallas as pl
from jax.experimental.pallas import tpu as pltpu
from jax.experimental.pallas import tpu_sc as plsc

_BM = 1024
_VL = 16


def _cpn_body(x_ref, kw_ref, gw_ref, gb_ref, win_ref, tab_ref,
              xn2_s, wsq_s):
    K, D = kw_ref.shape
    i = pl.program_id(0)

    @pl.when(i == 0)
    def _():
        xb = x_ref[...]
        nrm = jnp.sqrt(jnp.sum(xb * xb, axis=1, keepdims=True))
        xn = xb / jnp.maximum(nrm, 1e-12)
        xn2_s[...] = xn + xn
        kw = kw_ref[...]
        wsq_s[...] = jnp.sum(kw * kw, axis=1, keepdims=True)
        tab_ref[...] = jax.nn.sigmoid(gw_ref[...] + gb_ref[0, 0])

    xn2 = xn2_s[pl.ds(i * _BM, _BM), :]
    s2 = lax.dot_general(
        kw_ref[...], xn2, (((1,), (1,)), ((), ())),
        preferred_element_type=jnp.float32)
    negd = wsq_s[...] - s2
    winners = jnp.argmin(negd, axis=0).astype(jnp.int32)[None]
    win_ref[...] = winners[None]


def _sc_gather(tab, idx):
    B = idx.shape[0]
    K = tab.shape[0]
    info = plsc.get_sparse_core_info()
    nw = info.num_cores * info.num_subcores
    b_per_w = B // nw
    mesh = plsc.VectorSubcoreMesh(core_axis_name="c", subcore_axis_name="s")
    cp = pltpu.CompilerParams()
    if "needs_layout_passes" in pltpu.CompilerParams.__dataclass_fields__:
        cp = dataclasses.replace(cp, needs_layout_passes=False)

    @functools.partial(
        pl.kernel, mesh=mesh, compiler_params=cp,
        out_type=jax.ShapeDtypeStruct((B,), jnp.float32),
        scratch_types=[
            pltpu.VMEM((K,), jnp.float32),
            pltpu.VMEM((b_per_w,), jnp.int32),
            pltpu.VMEM((b_per_w,), jnp.float32),
        ],
    )
    def k(tab_hbm, idx_hbm, out_hbm, tab_v, idx_v, out_v):
        wid = lax.axis_index("s") * info.num_cores + lax.axis_index("c")
        base = wid * b_per_w
        pltpu.sync_copy(tab_hbm, tab_v)
        pltpu.sync_copy(idx_hbm.at[pl.ds(base, b_per_w)], idx_v)

        @pl.loop(0, b_per_w, step=_VL)
        def _(j):
            idx16 = idx_v.at[pl.ds(j, _VL)][...]
            out_v.at[pl.ds(j, _VL)][...] = plsc.load_gather(tab_v, [idx16])

        pltpu.sync_copy(out_v, out_hbm.at[pl.ds(base, b_per_w)])

    return k(tab, idx)


def kernel(x, kohonen_weights, grossberg_w, grossberg_b):
    B, D = x.shape
    K = kohonen_weights.shape[0]
    G = B // _BM
    gw_col = grossberg_w.reshape(K, 1)
    gb = grossberg_b.reshape(1, 1)
    win, tab = pl.pallas_call(
        _cpn_body,
        grid=(G,),
        in_specs=[
            pl.BlockSpec((B, D), lambda i: (0, 0)),
            pl.BlockSpec((K, D), lambda i: (0, 0)),
            pl.BlockSpec((K, 1), lambda i: (0, 0)),
            pl.BlockSpec((1, 1), lambda i: (0, 0)),
        ],
        scratch_shapes=[
            pltpu.VMEM((B, D), jnp.float32),
            pltpu.VMEM((K, 1), jnp.float32),
        ],
        out_specs=[
            pl.BlockSpec((1, 1, _BM), lambda i: (i, 0, 0)),
            pl.BlockSpec((K, 1), lambda i: (0, 0)),
        ],
        out_shape=[
            jax.ShapeDtypeStruct((G, 1, _BM), jnp.int32),
            jax.ShapeDtypeStruct((K, 1), jnp.float32),
        ],
    )(x, kohonen_weights, gw_col, gb)
    winners = win.reshape(B)
    out = _sc_gather(tab.reshape(K), winners)
    return out.reshape(B, 1), winners

# --- scband reference (transcript-rebuilt; emitter-appended) ---
"""Pipeline reference for scband-cpn-41858751267015 (READ-ONLY COPY).

The authoritative reference and input builder live on the scoring server;
editing this copy changes nothing except your own understanding.
"""

import jax, jax.numpy as jnp
import numpy as np

B, K, D, OUT = 4096, 8192, 32, 1


def _normalize(a, eps=1e-12):
    # matches torch.nn.functional.normalize(a, dim=1)
    n = jnp.linalg.norm(a, axis=1, keepdims=True)
    return a / jnp.maximum(n, eps)


def setup_inputs(seed: int = 0) -> dict:
    key = jax.random.key(seed)
    k1, k2, k3, k4 = jax.random.split(key, 4)
    x = jax.random.normal(k1, (B, D), dtype=jnp.float32)
    # kohonen_weights initialized as randn then row-normalized (as in __init__)
    kw = jax.random.normal(k2, (K, D), dtype=jnp.float32)
    kw = _normalize(kw)
    # grossberg nn.Linear(K, OUT): weight [OUT, K], bias [OUT], uniform(-1/sqrt(K), 1/sqrt(K))
    bound = 1.0 / np.sqrt(K)
    gw = jax.random.uniform(k3, (OUT, K), dtype=jnp.float32, minval=-bound, maxval=bound)
    gb = jax.random.uniform(k4, (OUT,), dtype=jnp.float32, minval=-bound, maxval=bound)
    return {"x": x, "kohonen_weights": kw, "grossberg_w": gw, "grossberg_b": gb}


def reference(x, kohonen_weights, grossberg_w, grossberg_b):
    # find_winner: normalize x, euclidean cdist to codebook, argmin
    xn = _normalize(x)
    x_sq = jnp.sum(xn * xn, axis=1, keepdims=True)            # [B, 1]
    w_sq = jnp.sum(kohonen_weights * kohonen_weights, axis=1)  # [K]
    d2 = x_sq + w_sq[None, :] - 2.0 * (xn @ kohonen_weights.T)  # [B, K]
    distances = jnp.sqrt(jnp.maximum(d2, 0.0))
    winners = jnp.argmin(distances, axis=1)                   # [B] int
    # kohonen_forward: one-hot via scatter
    kohonen_output = jnp.zeros((x.shape[0], kohonen_weights.shape[0]), dtype=x.dtype)
    kohonen_output = kohonen_output.at[jnp.arange(x.shape[0]), winners].set(1.0)
    # grossberg linear + sigmoid
    output = jax.nn.sigmoid(kohonen_output @ grossberg_w.T + grossberg_b)
    return (output, winners)

if __name__ == "__main__":
    import jax
    _d = setup_inputs()
    print(jax.jit(kernel)(*tuple(_d.values())))

</pallas_src>

<mosaic_0001>
#map = affine_map<(d0, d1) -> (0)>
module attributes {stable_mosaic.version = 14 : i64} {
  func.func @k(%arg0: i32, %arg1: i32, %arg2: memref<8192xf32, #tpu.memory_space<hbm>>, %arg3: memref<4096xi32, #tpu.memory_space<hbm>>, %arg4: memref<4096xf32, #tpu.memory_space<hbm>>, %arg5: memref<8192xf32, #tpu.memory_space<vmem>>, %arg6: memref<128xi32, #tpu.memory_space<vmem>>, %arg7: memref<128xf32, #tpu.memory_space<vmem>>) attributes {dimension_semantics = [#tpu.dimension_semantics<core_parallel>, #tpu.dimension_semantics<subcore_parallel>], iteration_bounds = array<i64: 2, 16>, scalar_prefetch = 0 : i64, scratch_operands = 3 : i64, tpu.core_type = #tpu.core_type<sc_vector_subcore>, window_params = [{transform_indices = #map}, {transform_indices = #map}, {transform_indices = #map}]} {
    %mul3A = arith.constant 2 : i32
    %mul3A_0 = arith.muli %arg1, %mul3A : i32
    %add3A = arith.addi %mul3A_0, %arg0 : i32
    %mul3A_1 = arith.constant 128 : i32
    %mul3A_2 = arith.muli %add3A, %mul3A_1 : i32
    "tpu.region"() ({
      %run_scoped3A = tpu.sem_alloc : memref<!tpu.dma_semaphore, #tpu.memory_space<semaphore_mem>>
      tpu.enqueue_dma source(%arg2 : memref<8192xf32, #tpu.memory_space<hbm>>) target(%arg5 : memref<8192xf32, #tpu.memory_space<vmem>>) target_semaphore(%run_scoped3A : memref<!tpu.dma_semaphore, #tpu.memory_space<semaphore_mem>>)
      tpu.wait_dma2 semaphore(%run_scoped3A : memref<!tpu.dma_semaphore, #tpu.memory_space<semaphore_mem>>) src(%arg2 : memref<8192xf32, #tpu.memory_space<hbm>>) dst(%arg5 : memref<8192xf32, #tpu.memory_space<vmem>>)
      tpu.yield
    }) : () -> ()
    "tpu.region"() ({
      %run_scoped3A = tpu.sem_alloc : memref<!tpu.dma_semaphore, #tpu.memory_space<semaphore_mem>>
      %dma_start3A = tpu.memref_slice %arg3[%mul3A_2] : memref<4096xi32, #tpu.memory_space<hbm>> -> memref<128xi32, #tpu.memory_space<hbm>>
      %dma_start3A_7 = tpu.memref_slice %arg3[%mul3A_2] : memref<4096xi32, #tpu.memory_space<hbm>> -> memref<128xi32, #tpu.memory_space<hbm>>
      tpu.enqueue_dma source(%dma_start3A_7 : memref<128xi32, #tpu.memory_space<hbm>>) target(%arg6 : memref<128xi32, #tpu.memory_space<vmem>>) target_semaphore(%run_scoped3A : memref<!tpu.dma_semaphore, #tpu.memory_space<semaphore_mem>>)
      %dma_wait3A = tpu.memref_slice %arg3[%mul3A_2] : memref<4096xi32, #tpu.memory_space<hbm>> -> memref<128xi32, #tpu.memory_space<hbm>>
      %dma_wait3A_8 = tpu.memref_slice %arg3[%mul3A_2] : memref<4096xi32, #tpu.memory_space<hbm>> -> memref<128xi32, #tpu.memory_space<hbm>>
      tpu.wait_dma2 semaphore(%run_scoped3A : memref<!tpu.dma_semaphore, #tpu.memory_space<semaphore_mem>>) src(%dma_wait3A_8 : memref<128xi32, #tpu.memory_space<hbm>>) dst(%arg6 : memref<128xi32, #tpu.memory_space<vmem>>)
      tpu.yield
    }) : () -> ()
    %scan3A = arith.constant 0 : i32
    %scan3A_3 = arith.constant 8 : i32
    %scan3A_4 = arith.addi %scan3A, %scan3A_3 : i32
    %scan3A_5 = arith.constant 1 : i32
    scf.for %scan3A_7 = %scan3A to %scan3A_4 step %scan3A_5  : i32 {
      %mul3A_8 = arith.constant 16 : i32
      %mul3A_9 = arith.muli %scan3A_7, %mul3A_8 : i32
      %add3A_10 = arith.constant 0 : i32
      %add3A_11 = arith.addi %add3A_10, %mul3A_9 : i32
      %get3A = arith.index_cast %add3A_11 : i32 to index
      %get3A_12 = tpu.vector_load %arg6[%get3A] {strides = array<i32>} : memref<128xi32, #tpu.memory_space<vmem>>, vector<16xi32>,
      %gather3A = tpu.vector_load_idx %arg5[%get3A_12] : memref<8192xf32, #tpu.memory_space<vmem>>[vector<16xi32>], vector<16xf32>,
      %swap3A = arith.index_cast %add3A_11 : i32 to index
      %swap3A_13 = tpu.vector_load %arg7[%swap3A] {strides = array<i32>} : memref<128xf32, #tpu.memory_space<vmem>>, vector<16xf32>,
      tpu.vector_store %arg7[%swap3A], %gather3A {strides = array<i32>} : memref<128xf32, #tpu.memory_space<vmem>>, vector<16xf32>,
    }
    %scan3A_6 = arith.constant 8 : i32
    "tpu.region"() ({
      %run_scoped3A = tpu.sem_alloc : memref<!tpu.dma_semaphore, #tpu.memory_space<semaphore_mem>>
      %dma_start3A = tpu.memref_slice %arg4[%mul3A_2] : memref<4096xf32, #tpu.memory_space<hbm>> -> memref<128xf32, #tpu.memory_space<hbm>>
      %dma_start3A_7 = tpu.memref_slice %arg4[%mul3A_2] : memref<4096xf32, #tpu.memory_space<hbm>> -> memref<128xf32, #tpu.memory_space<hbm>>
      tpu.enqueue_dma source(%arg7 : memref<128xf32, #tpu.memory_space<vmem>>) target(%dma_start3A_7 : memref<128xf32, #tpu.memory_space<hbm>>) target_semaphore(%run_scoped3A : memref<!tpu.dma_semaphore, #tpu.memory_space<semaphore_mem>>)
      %dma_wait3A = tpu.memref_slice %arg4[%mul3A_2] : memref<4096xf32, #tpu.memory_space<hbm>> -> memref<128xf32, #tpu.memory_space<hbm>>
      %dma_wait3A_8 = tpu.memref_slice %arg4[%mul3A_2] : memref<4096xf32, #tpu.memory_space<hbm>> -> memref<128xf32, #tpu.memory_space<hbm>>
      tpu.wait_dma2 semaphore(%run_scoped3A : memref<!tpu.dma_semaphore, #tpu.memory_space<semaphore_mem>>) src(%arg7 : memref<128xf32, #tpu.memory_space<vmem>>) dst(%dma_wait3A_8 : memref<128xf32, #tpu.memory_space<hbm>>)
      tpu.yield
    }) : () -> ()
    return
  }
}

module attributes {stable_mosaic.version = 14 : i64} {
  func.func @_cpn_body(%arg0: i32, %arg1: memref<4096x32xf32, #tpu.memory_space<vmem>>, %arg2: memref<8192x32xf32, #tpu.memory_space<vmem>>, %arg3: memref<8192x1xf32, #tpu.memory_space<vmem>>, %arg4: memref<1x1xf32, #tpu.memory_space<vmem>>, %arg5: memref<1x1x1024xi32, #tpu.memory_space<vmem>>, %arg6: memref<8192x1xf32, #tpu.memory_space<vmem>>, %arg7: memref<4096x32xf32, #tpu.memory_space<vmem>>, %arg8: memref<8192x1xf32, #tpu.memory_space<vmem>>) attributes {dimension_semantics = [#tpu.dimension_semantics<arbitrary>], iteration_bounds = array<i64: 4>, scalar_prefetch = 0 : i64, scratch_operands = 2 : i64, tpu.core_type = #tpu.core_type<tc>, window_params = [{pipeline_mode = #tpu.pipeline_mode<synchronous>, transform_indices = @transform_0, window_bounds = array<i64: 4096, 32>}, {pipeline_mode = #tpu.pipeline_mode<synchronous>, transform_indices = @transform_1, window_bounds = array<i64: 8192, 32>}, {pipeline_mode = #tpu.pipeline_mode<synchronous>, transform_indices = @transform_2, window_bounds = array<i64: 8192, 1>}, {pipeline_mode = #tpu.pipeline_mode<synchronous>, transform_indices = @transform_3, window_bounds = array<i64: 1, 1>}, {transform_indices = @transform_4, window_bounds = array<i64: 1, 1, 1024>}, {pipeline_mode = #tpu.pipeline_mode<synchronous>, transform_indices = @transform_5, window_bounds = array<i64: 8192, 1>}]} {
    %eq3A = arith.constant 0 : i32
    %eq3A_0 = arith.cmpi eq, %arg0, %eq3A : i32
    %convert_element_type3A = arith.extui %eq3A_0 : i1 to i32
    %cond3A = arith.constant 0 : i32
    %cond3A_1 = arith.cmpi ne, %convert_element_type3A, %cond3A : i32
    scf.if %cond3A_1 {
      %get3A_17 = arith.constant 0 : index
      %get3A_18 = arith.constant 0 : index
      %get3A_19 = vector.load %arg1[%get3A_17, %get3A_18] : memref<4096x32xf32, #tpu.memory_space<vmem>>, vector<4096x32xf32>
      %mul3A_20 = arith.mulf %get3A_19, %get3A_19 : vector<4096x32xf32>
      %reduce_sum3A = arith.constant dense<0.000000e+00> : vector<4096xf32>
      %reduce_sum3A_21 = vector.multi_reduction <add>, %mul3A_20, %reduce_sum3A [1] : vector<4096x32xf32> to vector<4096xf32>
      %broadcast_in_dim3A_22 = vector.shape_cast %reduce_sum3A_21 : vector<4096xf32> to vector<4096x1xf32>
      %sqrt3A = math.sqrt %broadcast_in_dim3A_22 : vector<4096x1xf32>
      %max3A = arith.constant 9.99999996E-13 : f32
      %max3A_23 = vector.broadcast %max3A : f32 to vector<4096x1xf32>
      %max3A_24 = arith.maximumf %sqrt3A, %max3A_23 : vector<4096x1xf32>
      %div3A = vector.broadcast %max3A_24 : vector<4096x1xf32> to vector<4096x32xf32>
      %div3A_25 = arith.divf %get3A_19, %div3A : vector<4096x32xf32>
      %add3A = arith.addf %div3A_25, %div3A_25 : vector<4096x32xf32>
      %swap3A_26 = arith.constant 0 : index
      %swap3A_27 = arith.constant 0 : index
      %swap3A_28 = vector.load %arg7[%swap3A_26, %swap3A_27] : memref<4096x32xf32, #tpu.memory_space<vmem>>, vector<4096x32xf32>
      tpu.vector_store %arg7[%swap3A_26, %swap3A_27], %add3A {strides = array<i32>} : memref<4096x32xf32, #tpu.memory_space<vmem>>, vector<4096x32xf32>,
      %get3A_29 = arith.constant 0 : index
      %get3A_30 = arith.constant 0 : index
      %get3A_31 = vector.load %arg2[%get3A_29, %get3A_30] : memref<8192x32xf32, #tpu.memory_space<vmem>>, vector<8192x32xf32>
      %mul3A_32 = arith.mulf %get3A_31, %get3A_31 : vector<8192x32xf32>
      %reduce_sum3A_33 = arith.constant dense<0.000000e+00> : vector<8192xf32>
      %reduce_sum3A_34 = vector.multi_reduction <add>, %mul3A_32, %reduce_sum3A_33 [1] : vector<8192x32xf32> to vector<8192xf32>
      %broadcast_in_dim3A_35 = vector.shape_cast %reduce_sum3A_34 : vector<8192xf32> to vector<8192x1xf32>
      %swap3A_36 = arith.constant 0 : index
      %swap3A_37 = arith.constant 0 : index
      %swap3A_38 = vector.load %arg8[%swap3A_36, %swap3A_37] : memref<8192x1xf32, #tpu.memory_space<vmem>>, vector<8192x1xf32>
      tpu.vector_store %arg8[%swap3A_36, %swap3A_37], %broadcast_in_dim3A_35 {strides = array<i32>} : memref<8192x1xf32, #tpu.memory_space<vmem>>, vector<8192x1xf32>,
      %get3A_39 = arith.constant 0 : index
      %get3A_40 = arith.constant 0 : index
      %get3A_41 = vector.load %arg3[%get3A_39, %get3A_40] : memref<8192x1xf32, #tpu.memory_space<vmem>>, vector<8192x1xf32>
      %get3A_42 = arith.constant 0 : index
      %get3A_43 = arith.constant 0 : index
      %get3A_44 = vector.load %arg4[%get3A_42, %get3A_43] : memref<1x1xf32, #tpu.memory_space<vmem>>, vector<1x1xf32>
      %get3A_45 = vector.extract %get3A_44[0, 0] : f32 from vector<1x1xf32>
      %add3A_46 = vector.broadcast %get3A_45 : f32 to vector<8192x1xf32>
      %add3A_47 = arith.addf %get3A_41, %add3A_46 : vector<8192x1xf32>
      %logistic3A = arith.negf %add3A_47 : vector<8192x1xf32>
      %logistic3A_48 = math.exp %logistic3A : vector<8192x1xf32>
      %logistic3A_49 = arith.constant 1.000000e+00 : f32
      %logistic3A_50 = vector.broadcast %logistic3A_49 : f32 to vector<8192x1xf32>
      %logistic3A_51 = arith.addf %logistic3A_50, %logistic3A_48 : vector<8192x1xf32>
      %logistic3A_52 = arith.divf %logistic3A_50, %logistic3A_51 : vector<8192x1xf32>
      %swap3A_53 = arith.constant 0 : index
      %swap3A_54 = arith.constant 0 : index
      %swap3A_55 = vector.load %arg6[%swap3A_53, %swap3A_54] : memref<8192x1xf32, #tpu.memory_space<vmem>>, vector<8192x1xf32>
      tpu.vector_store %arg6[%swap3A_53, %swap3A_54], %logistic3A_52 {strides = array<i32>} : memref<8192x1xf32, #tpu.memory_space<vmem>>, vector<8192x1xf32>,
    } else {
    }
    %mul3A = arith.constant 1024 : i32
    %mul3A_2 = arith.muli %arg0, %mul3A : i32
    %get3A = arith.index_cast %mul3A_2 : i32 to index
    %get3A_3 = arith.constant 0 : index
    %get3A_4 = vector.load %arg7[%get3A, %get3A_3] : memref<4096x32xf32, #tpu.memory_space<vmem>>, vector<1024x32xf32>
    %get3A_5 = arith.constant 0 : index
    %get3A_6 = arith.constant 0 : index
    %get3A_7 = vector.load %arg2[%get3A_5, %get3A_6] : memref<8192x32xf32, #tpu.memory_space<vmem>>, vector<8192x32xf32>
    %dot_general3A = arith.constant dense<0.000000e+00> : vector<8192x1024xf32>
    %dot_general3A_8 = tpu.matmul %get3A_7, %get3A_4, %dot_general3A {dimension_numbers = #tpu.dot_dimension_numbers<[1], [1], [0], [0], [0, 0, 1, 0], [], []>, transpose_lhs_hint = false} : vector<8192x32xf32>, vector<1024x32xf32>, vector<8192x1024xf32> -> vector<8192x1024xf32>
    %get3A_9 = arith.constant 0 : index
    %get3A_10 = arith.constant 0 : index
    %get3A_11 = vector.load %arg8[%get3A_9, %get3A_10] : memref<8192x1xf32, #tpu.memory_space<vmem>>, vector<8192x1xf32>
    %sub3A = vector.broadcast %get3A_11 : vector<8192x1xf32> to vector<8192x1024xf32>
    %sub3A_12 = arith.subf %sub3A, %dot_general3A_8 : vector<8192x1024xf32>
    %argmin3A = tpu.reduce_index %sub3A_12 {axis = 0 : i32, kind = #tpu.reduction_kind<arg_min>} : vector<8192x1024xf32> -> vector<1024xi32>
    %broadcast_in_dim3A = vector.shape_cast %argmin3A : vector<1024xi32> to vector<1x1024xi32>
    %broadcast_in_dim3A_13 = vector.shape_cast %broadcast_in_dim3A : vector<1x1024xi32> to vector<1x1x1024xi32>
    %swap3A = arith.constant 0 : index
    %swap3A_14 = arith.constant 0 : index
    %swap3A_15 = arith.constant 0 : index
    %swap3A_16 = vector.load %arg5[%swap3A, %swap3A_14, %swap3A_15] : memref<1x1x1024xi32, #tpu.memory_space<vmem>>, vector<1x1x1024xi32>
    tpu.vector_store %arg5[%swap3A, %swap3A_14, %swap3A_15], %broadcast_in_dim3A_13 {strides = array<i32>} : memref<1x1x1024xi32, #tpu.memory_space<vmem>>, vector<1x1x1024xi32>,
    return
  }
  func.func @transform_0(%arg0: i32) -> (i32, i32) {
    %c0_i32 = arith.constant 0 : i32
    %c0_i32_0 = arith.constant 0 : i32
    %c0_i32_1 = arith.constant 0 : i32
    return %c0_i32, %c0_i32_0 : i32, i32
  }
  func.func @transform_1(%arg0: i32) -> (i32, i32) {
    %c0_i32 = arith.constant 0 : i32
    %c0_i32_0 = arith.constant 0 : i32
    %c0_i32_1 = arith.constant 0 : i32
    return %c0_i32, %c0_i32_0 : i32, i32
  }
  func.func @transform_2(%arg0: i32) -> (i32, i32) {
    %c0_i32 = arith.constant 0 : i32
    %c0_i32_0 = arith.constant 0 : i32
    %c0_i32_1 = arith.constant 0 : i32
    return %c0_i32, %c0_i32_0 : i32, i32
  }
  func.func @transform_3(%arg0: i32) -> (i32, i32) {
    %c0_i32 = arith.constant 0 : i32
    %c0_i32_0 = arith.constant 0 : i32
    %c0_i32_1 = arith.constant 0 : i32
    return %c0_i32, %c0_i32_0 : i32, i32
  }
  func.func @transform_4(%arg0: i32) -> (i32, i32, i32) {
    %c0_i32 = arith.constant 0 : i32
    %c0_i32_0 = arith.constant 0 : i32
    %c0_i32_1 = arith.constant 0 : i32
    return %arg0, %c0_i32, %c0_i32_0 : i32, i32, i32
  }
  func.func @transform_5(%arg0: i32) -> (i32, i32) {
    %c0_i32 = arith.constant 0 : i32
    %c0_i32_0 = arith.constant 0 : i32
    %c0_i32_1 = arith.constant 0 : i32
    return %c0_i32, %c0_i32_0 : i32, i32
  }
}

</mosaic_0001>

<sc_bundles>
// kernel: kernel.4.cloned.1.call-start
scs
__scs_entry_jumppad:
0x0: {  	(pc) =	sbr.rel $0x88, $3  }
0x1: {  	(tag) =	ssettag $0x0;
	lr =	simm.s32 $0x1  }
0x2: {  	[smem:$0x3F9D] =	sst lr;
	_ =	strace $0xD0000000  }
0x3: {  	_ = 	snop  }
0x4: {  	_ = 	snop  }
0x5: {  	_ = 	snop  }
0x6: {  	_ = 	snop  }
0x7: {  	_ = 	snop  }
__scs_overlays_trampoline_lowered:
0x8: {  	[smem:$0x3FAC] =	sst s0  }
0x9: {  	[smem:$0x3FAD] =	sst s1  }
0xa: {  	[smem:$0x3FAE] =	sst s2  }
0xb: {  	[smem:$0x3FAF] =	sst s3  }
0xc: {  	[smem:$0x3FB0] =	sst s4  }
0xd: {  	[smem:$0x3FB1] =	sst s5  }
0xe: {  	[smem:$0x3FB2] =	sst s6  }
0xf: {  	[smem:$0x3FB3] =	sst s7  }
0x10: {  	[smem:$0x3FB4] =	sst s8  }
0x11: {  	[smem:$0x3FB5] =	sst s9;
	s0 =	simm.s32 @!p0 $0x0  }
0x12: {  	s1 =	sld [smem:$0x3F9B];
	s0 =	simm.s32 @p0 $0x1  }
0x13: {  	[smem:$0x3FB6] =	sst s0;
	s0 =	simm.s32 @!p1 $0x0  }
0x14: {  	s2 =	sld [smem:$0x3F9A];
	s0 =	simm.s32 @p1 $0x1  }
0x15: {  	[smem:$0x3FB7] =	sst s0;
	s0 =	simm.s32 @!p2 $0x0  }
0x16: {  	s3 =	sld [smem:$0x3FDB];
	s0 =	simm.s32 @p2 $0x1  }
0x17: {  	s4 =	simm.s32 $0x1BF5;
	[smem:$0x3FB9] =	sst s0  }
0x18: {  	s0 =	sld [smem:$0x3F9C];
	_ =	swait.ge [sflag:s4], $0x0  }
0x19: {  	s7 =	sld [smem:$0x3F9D]  }
0x1a: {  	s8 =	sadd.s32 $0xFFFFE003, lr  }
0x1b: {  	s9 =	sadd.s32 $0xFFFFFEF7, lr;
	s5 =	simm.s32 $0xFFFFFFFF;
	p2 =	slt.u32 s8, $0xFFFFF086  }
0x1c: {  	p1 =	slt.u32 s9, $0xF7A;
	s5 =	simm.s32 @!p2 $0x0  }
0x1d: {  	s5 =	simm.s32 @p1 $0x1;
	p0 =	seq.s32 s7, s2  }
0x1e: {  	s7 =	smul.u32 @!p0 $0xF7A, s2;
	p2 =	seq.s32 @!p0 s5, $0x0  }
0x1f: {  	s9 =	smul.u32 $0xF7A, s1;
	s8 =	simm.s32 @!p0 $0x1BF5;
	p2 =	por !p2, p0  }
0x20: {  	[sflag:s8] =	ssyncset.s32 @!p0 $0xFFFFF086;
	s6 =	sadd.s32 @!p0 s3, s7;
	s7 =	simm.s32 @!p0 $0x108  }
0x21: {  	s3 =	sadd.s32 s3, s9;
	s6 =	sadd.s32 @!p0 $0x88, s6;
	s7 =	simm.s32 @p2 $0x1082  }
0x22: {  	[simem:s7], [sflag:s8] =	dma.local @!p0 [hbm:s6], $0xF7A  }
0x23: {  	s9 =	sor.u32 $0xD0000000, s2;
	s6 =	simm.s32 $0x108;
	_ =	swait.ge @!p0 [sflag:s8], $0x0  }
0x24: {  	s3 =	sadd.s32 $0x88, s3;
	s6 =	simm.s32 @!p1 $0x1082;
	[sflag:s4] =	ssyncset.s32 $0xFFFFF086  }
0x25: {  	[simem:s6], [sflag:s4] =	dma.local [hbm:s3], $0xF7A  }
0x26: {  	[smem:$0x3F9D] =	sst s1;
	(tag) =	ssettag s2;
	_ =	strace s9  }
0x27: {  	s1 =	sld [smem:$0x3FAD]  }
0x28: {  	s2 =	sld [smem:$0x3FAE]  }
0x29: {  	s4 =	sld [smem:$0x3FB0]  }
0x2a: {  	p0 =	seq.s32 s5, $0x0;
	s5 =	sld [smem:$0x3FB1]  }
0x2b: {  	s6 =	sld [smem:$0x3FB2]  }
0x2c: {  	s7 =	sld [smem:$0x3FB3]  }
0x2d: {  	s3 =	simm.s32 $0x108;
	s8 =	sld [smem:$0x3FB4]  }
0x2e: {  	s3 =	simm.s32 @!p0 $0x1082;
	s9 =	sld [smem:$0x3FB5]  }
0x2f: {  	lr =	sadd.s32 s0, s3;
	s0 =	sld [smem:$0x3FAC]  }
0x30: {  	s3 =	sld [smem:$0x3FAF]  }
0x31: {  	[smem:$0x3FB8] =	sst s10  }
0x32: {  	s10 =	sld [smem:$0x3FB6];
	_ =	sdelay $0x3  }
0x33: {  	p0 =	seq.s32 s10, $0x1;
	s10 =	sld [smem:$0x3FB8];
	_ =	sdelay $0x3  }
0x34: {  	[smem:$0x3FB8] =	sst s10  }
0x35: {  	s10 =	sld [smem:$0x3FB7];
	_ =	sdelay $0x3  }
0x36: {  	p1 =	seq.s32 s10, $0x1;
	s10 =	sld [smem:$0x3FB8];
	_ =	sdelay $0x3  }
0x37: {  	[smem:$0x3FB8] =	sst s10  }
0x38: {  	s10 =	sld [smem:$0x3FB9]  }
0x39: {  	_ = 	snop;
	(pc) =	sbr.ind lr, $3  }
0x3a: {  	_ = 	snop  }
0x3b: {  	_ = 	snop  }
0x3c: {  	p2 =	seq.s32 s10, $0x1;
	s10 =	sld [smem:$0x3FB8]  }
0x3d: {  	_ =	shalt  }
0x3e: {  	_ =	shalt  }
0x3f: {  	_ =	shalt  }
0x40: {  	_ =	shalt  }
0x41: {  	_ =	shalt  }
0x42: {  	_ =	shalt  }
0x43: {  	_ =	shalt  }
0x44: {  	_ =	shalt  }
0x45: {  	_ =	shalt  }
0x46: {  	_ =	shalt  }
0x47: {  	_ =	shalt  }
0x48: {  	_ =	shalt  }
0x49: {  	_ =	shalt  }
0x4a: {  	_ =	shalt  }
0x4b: {  	_ =	shalt  }
0x4c: {  	_ =	shalt  }
0x4d: {  	_ =	shalt  }
0x4e: {  	_ =	shalt  }
0x4f: {  	_ =	shalt  }
0x50: {  	_ =	shalt  }
0x51: {  	_ =	shalt  }
0x52: {  	_ =	shalt  }
0x53: {  	_ =	shalt  }
0x54: {  	_ =	shalt  }
0x55: {  	_ =	shalt  }
0x56: {  	_ =	shalt  }
0x57: {  	_ =	shalt  }
0x58: {  	_ =	shalt  }
0x59: {  	_ =	shalt  }
0x5a: {  	_ =	shalt  }
0x5b: {  	_ =	shalt  }
0x5c: {  	_ =	shalt  }
0x5d: {  	_ =	shalt  }
0x5e: {  	_ =	shalt  }
0x5f: {  	_ =	shalt  }
0x60: {  	_ =	shalt  }
0x61: {  	_ =	shalt  }
0x62: {  	_ =	shalt  }
0x63: {  	_ =	shalt  }
0x64: {  	_ =	shalt  }
0x65: {  	_ =	shalt  }
0x66: {  	_ =	shalt  }
0x67: {  	_ =	shalt  }
0x68: {  	_ =	shalt  }
0x69: {  	_ =	shalt  }
0x6a: {  	_ =	shalt  }
0x6b: {  	_ =	shalt  }
0x6c: {  	_ =	shalt  }
0x6d: {  	_ =	shalt  }
0x6e: {  	_ =	shalt  }
0x6f: {  	_ =	shalt  }
0x70: {  	_ =	shalt  }
0x71: {  	_ =	shalt  }
0x72: {  	_ =	shalt  }
0x73: {  	_ =	shalt  }
0x74: {  	_ =	shalt  }
0x75: {  	_ =	shalt  }
0x76: {  	_ =	shalt  }
0x77: {  	_ =	shalt  }
0x78: {  	_ =	shalt  }
0x79: {  	_ =	shalt  }
0x7a: {  	_ =	shalt  }
0x7b: {  	_ =	shalt  }
0x7c: {  	_ =	shalt  }
0x7d: {  	_ =	shalt  }
0x7e: {  	_ =	shalt  }
0x7f: {  	_ =	shalt  }
0x80: {  	_ =	shalt  }
0x81: {  	_ =	shalt  }
0x82: {  	_ =	shalt  }
0x83: {  	_ =	shalt  }
0x84: {  	_ =	shalt  }
0x85: {  	_ =	shalt  }
0x86: {  	_ =	shalt  }
0x87: {  	_ =	shalt  }
.Lfunc_end0:
.L_simem_size_0:
called_computation_lowered:
.L_overlay_start_0:
0x88: {  	s2 =	sld [smem:$0x3FD9]  }
0x89: {  	s3 =	sld [smem:$0x3FFE];
	_ =	sdelay $0x1  }
0x8a: {  	s1 =	srdreg.scid  }
0x8b: {  	s0 =	sand.u32 $0x1, s1  }
0x8c: {  	s14 =	sshll.u32 s0, $0xA;
	s2 =	sadd.s32 s3, s2  }
0x8d: {  	s2 =	sadd.s32 s2, s14  }
0x8e: {  	[smem:$0x3FC4] =	sst s2  }
0x8f: {  	_ = 	snop  }
0x90: {  	s2 =	sld [smem:$0x3FD0];
	_ =	sdelay $0x2  }
0x91: {  	s15 =	simm.s32 $0xA;
	s4 =	simm.s32 $0x10  }
0x92: {  	[smem:s4], [sflag:s15] =	dma.local [hbm:s2], $0x1  }
0x93: {  	_ =	swait.eq [sflag:s15], $0x1  }
0x94: {  	[sflag:s15] =	ssyncset.done $0x0  }
0x95: {  	s16 =	sld [smem:$0x10];
	[sflag:s15] =	ssyncadd.s32 $0xFFFFFFFF  }
0x96: {  	s17 =	sld [smem:$0x11];
	(tm) =	ssettm $0x1  }
0x97: {  	s18 =	sld [smem:$0x3FFB];
	_ =	sdelay $0x3  }
0x98: {  	_ =	strace s18  }
0x99: {  	s4 =	sld [smem:$0x3FFC];
	_ =	sdelay $0x3  }
0x9a: {  	_ =	strace s4  }
0x9b: {  	s4 =	sld [smem:$0x3FFD];
	_ =	sdelay $0x3  }
0x9c: {  	_ =	strace s4  }
0x9d: {  	_ =	strace $0x8FFFFFFF  }
0x9e: {  	s19 =	sld [smem:$0x3FDB];
	_ =	sdelay $0x1  }
0x9f: {  	s5 =	simm.s32 $_scs_section_size  }
0xa0: {  	s6 =	simm.s32 $_size__tile_overlayer_lowered;
	s7 =	simm.s32 $_tile_overlayer_lowered  }
0xa1: {  	s22 =	simm.s32 $0x1BFF;
	s21 =	sshll.u32 s7, $0x1;
	s4 =	sadd.s32 s5, s19  }
0xa2: {  	s8 =	simm.s32 $0x0;
	s20 =	sshll.u32 s6, $0x1;
	s6 =	sadd.s32 s21, s4  }
0xa3: {  	[timem:s8], [sflag:s22] =	dma.local [hbm:s6], s20  }
0xa4: {  	_ =	swait.ge [sflag:s22], s20  }
0xa5: {  	s5 =	ssub.s32 $0x0, s20;
	[sflag:s22] =	ssyncset.done $0x0  }
0xa6: {  	[sflag:s22] =	ssyncadd.s32 s5;
	_ =	sdelay $0x1  }
0xa7: {  	s23 =	simm.s32 $0x1B8B  }
0xa8: {  	_ =	swait.ge [sflag:s23], $0x1  }
0xa9: {  	[sflag:s23] =	ssyncset.done $0x0  }
0xaa: {  	s25 =	simm.s32 $0x1B8E;
	s24 =	sld [smem:$0x3FFE];
	[sflag:s23] =	ssyncadd.s32 $0xFFFFFFFF  }
0xab: {  	s26 =	simm.s32 $execute0_lowered;
	[smem:$0x3FD2] =	sst s25  }
0xac: {  	s6 =	sshll.u32 s26, $0x1;
	_ =	strace $0x80000046;
	[dreg:$0x1] =	wrdreg $0xFFFFFFFF  }
0xad: {  	s28 =	simm.s32 $_size_execute0_lowered;
	s4 =	sadd.s32 s4, s6;
	[dreg:$0x0] =	wrdreg $0x0  }
0xae: {  	s6 =	sshll.u32 s28, $0x1;
	[dreg:$0x2] =	wrdreg s4  }
0xaf: {  	[dreg:$0x3] =	wrdreg s6  }
0xb0: {  	[dreg:$0x4] =	wrdreg $0xC0  }
0xb1: {  	_ =	task [dreg:s8], $0x5FFFF  }
0xb2: {  	[dreg:$0x1] =	wrdreg $0xFFFFFFFF  }
0xb3: {  	[dreg:$0x0] =	wrdreg $0x60  }
0xb4: {  	[dreg:$0x2] =	wrdreg s24  }
0xb5: {  	[dreg:$0x3] =	wrdreg s17  }
0xb6: {  	[dreg:$0x4] =	wrdreg s16  }
0xb7: {  	[dreg:$0x5] =	wrdreg $0x9  }
0xb8: {  	_ =	task.clear_ibuf [dreg:s8], $0x6FFFF;
	_ =	strace $0x90000046  }
0xb9: {  	s29 =	simm.s32 $0x9;
	_ =	strace $0x80000048  }
0xba: {  	_ =	swait.ge [sflag:s29], $0x1  }
0xbb: {  	[sflag:s29] =	ssyncadd.s32 $0xFFFFFFFF  }
0xbc: {  	_ =	strace $0x90000048  }
0xbd: {  	_ =	sfence  }
0xbe: {  	s30 =	sld [smem:$0x0];
	_ =	sdelay $0x2  }
0xbf: {  	s31 =	sshll.u32 s1, $0xD;
	s1 =	sshrl.u32 s1, $0x2  }
0xc0: {  	s3 =	sand.u32 $0x4000, s31;
	s1 =	sadd.s32 s1, s30  }
0xc1: {  	s0 =	sor.u32 s3, s0;
	s1 =	sshll.u32 s1, $0x11  }
0xc2: {  	s0 =	sor.u32 s1, s0  }
0xc3: {  	s0 =	sadd.s32 $0x8F2B, s0  }
0xc4: {  	[sflag:s0] =	ssyncadd.remote.s32 $0x1  }
0xc5: {  	_ =	sfence.sel $0xFFFF  }
0xc6: {  	[dreg:$0x0] =	wrdreg $0xFFFFFFFF;
	(pc) =	sbr.abs _section_cstart, $3  }
0xc7: {  	[dreg:$0x1] =	wrdreg $0xFFFFFFFF  }
0xc8: {  	_ =	task.clear_ibuf [dreg:s8], $0x2FFFF;
	_ =	strace $0x9FFFFFFF  }
0xc9: {  	(tm) =	ssettm $0x7FFFFFFF  }
tec
execute0_lowered:
.L_overlay_start_1:
0x0: {  	(tag) =	ssettag $0x1  }
0x1: {  	s1 =	rddreg [dreg:$0x0]  }
0x2: {  	s5 =	rddreg [dreg:$0x1]  }
0x3: {  	s7 =	rddreg [dreg:$0x2]  }
0x4: {  	s0 =	rddreg [dreg:$0x3];
	s2 =	simm.s32 $0x0;
	s4 =	srdreg.scid  }
0x5: {  	[smem:$0x7FF] =	sst s2;
	s3 =	sadd.s32 $0x400, s1;
	s1 =	stileid.u32  }
0x6: {  	s8 =	sand.u32 $0x1, s4;
	s4 =	simm.s32 $0x1;
	_ =	strace $0x80000047  }
0x7: {  	[tilespmem:s2], [sflag:$0x1] =	stream.linear.gather [hbm4b:s3+s2], $0x2000, $0x38;
	[tilespmem:$0x2100] =	vst v63  }
0x8: {  	s6 =	sshll.u32 s1, $0x5;
	s9 =	sshll.u32 s8, $0x4;
	_ =	swait.ge [sflag:s4], $0x2000  }
0x9: {  	s9 =	sor.u32 s9, s6;
	[sflag:s4] =	ssyncset.done $0x0  }
0xa: {  	s6 =	simm.s32 $0x2000;
	s5 =	sadd.s32 s5, s9;
	[sflag:s4] =	ssyncadd.s32 $0xFFFFE000  }
0xb: {  	[tilespmem:s6], [sflag:$0x1] =	stream.linear.gather [hbm4b:s5+s2], $0x80, $0x38;
	[tilespmem:$0x2100] =	vst v63  }
0xc: {  	_ =	swait.ge [sflag:s4], $0x80  }
0xd: {  	[sflag:s4] =	ssyncset.done $0x0  }
0xe: {  	[sflag:s4] =	ssyncadd.s32 $0xFFFFFF80  }
0xf: {  	v0 =	vld [tilespmem:$0x2000];
	_ =	sdelay $0x5  }
0x10: {  	v1 =	vld [tilespmem:$0x2010];
	_ =	sdelay $0x1  }
0x11: {  	v0 =	vld.idx.msk [tilespmem:v0+s2+$0x0], $0xffff;
	_ =	sdelay $0x3  }
0x12: {  	v2 =	vld [tilespmem:$0x2020]  }
0x13: {  	[tilespmem:$0x2080] =	vst v0  }
0x14: {  	v0 =	vld.idx.msk [tilespmem:v1+s2+$0x0], $0xffff;
	_ =	sdelay $0x3  }
0x15: {  	v59 =	vld [tilespmem:$0x2030]  }
0x16: {  	[tilespmem:$0x2090] =	vst v0  }
0x17: {  	v0 =	vld.idx.msk [tilespmem:v2+s2+$0x0], $0xffff;
	_ =	sdelay $0x3  }
0x18: {  	v60 =	vld [tilespmem:$0x2040]  }
0x19: {  	[tilespmem:$0x20A0] =	vst v0  }
0x1a: {  	v0 =	vld.idx.msk [tilespmem:v59+s2+$0x0], $0xffff;
	_ =	sdelay $0x3  }
0x1b: {  	v61 =	vld [tilespmem:$0x2050]  }
0x1c: {  	[tilespmem:$0x20B0] =	vst v0  }
0x1d: {  	v0 =	vld.idx.msk [tilespmem:v60+s2+$0x0], $0xffff;
	_ =	sdelay $0x3  }
0x1e: {  	v62 =	vld [tilespmem:$0x2060]  }
0x1f: {  	[tilespmem:$0x20C0] =	vst v0  }
0x20: {  	v0 =	vld.idx.msk [tilespmem:v61+s2+$0x0], $0xffff;
	_ =	sdelay $0x3  }
0x21: {  	v63 =	vld [tilespmem:$0x2070]  }
0x22: {  	[tilespmem:$0x20D0] =	vst v0  }
0x23: {  	v0 =	vld.idx.msk [tilespmem:v62+s2+$0x0], $0xffff;
	_ =	sdelay $0x4  }
0x24: {  	s8 =	ssub.s32 $0x2, s8;
	[tilespmem:$0x20E0] =	vst v0  }
0x25: {  	s10 =	sshrl.u32 s8, $0x1;
	v0 =	vld.idx.msk [tilespmem:v63+s2+$0x0], $0xffff  }
0x26: {  	s8 =	ssub.s32 s8, s10  }
0x27: {  	s31 =	smax.u32 s8, $0x1  }
0x28: {  	p0 =	sne.s32 s31, $0x1  }
.Ltmp0:
0x29: {  	_ = 	snop;
	(pc) =	sbr.rel @!p0 .LBB2_2-.Ltmp0, $4  }
0x2a: {  	s7 =	sadd.s32 s7, s9;
	s8 =	simm.s32 $0x2080;
	[tilespmem:$0x20F0] =	vst v0  }
0x2b: {  	[hbm4b:s7+s2] =	stream.linear.scatter [tilespmem:s8], [sflag:$0x1], $0x80, $0x38;
	[tilespmem:$0x2100] =	vst v63  }
0x2c: {  	_ =	swait.ge [sflag:s4], $0x80  }
0x2d: {  	s9 =	sadd.s32 $0xFFFFFFFF, s31;
	[sflag:s4] =	ssyncset.done $0x0  }
.LBB2_1:
0x2e: {  	p0 =	sne.s32 s9, $0x1;
	s9 =	sadd.s32 $0xFFFFFFFF, s9;
	[sflag:s4] =	ssyncadd.s32 $0xFFFFFF80  }
0x2f: {  	[tilespmem:s2], [sflag:$0x1] =	stream.linear.gather [hbm4b:s3+s2], $0x2000, $0x38;
	[tilespmem:$0x2100] =	vst v63  }
0x30: {  	_ =	swait.ge [sflag:s4], $0x2000  }
0x31: {  	[sflag:s4] =	ssyncset.done $0x0  }
0x32: {  	[sflag:s4] =	ssyncadd.s32 $0xFFFFE000  }
0x33: {  	[tilespmem:s6], [sflag:$0x1] =	stream.linear.gather [hbm4b:s5+s2], $0x80, $0x38;
	[tilespmem:$0x2100] =	vst v63  }
0x34: {  	_ =	swait.ge [sflag:s4], $0x80  }
0x35: {  	[sflag:s4] =	ssyncset.done $0x0  }
0x36: {  	[sflag:s4] =	ssyncadd.s32 $0xFFFFFF80  }
0x37: {  	v0 =	vld [tilespmem:$0x2000];
	_ =	sdelay $0x6  }
0x38: {  	v1 =	vld [tilespmem:$0x2010]  }
0x39: {  	v0 =	vld.idx.msk [tilespmem:v0+s2+$0x0], $0xffff;
	_ =	sdelay $0x5  }
0x3a: {  	[tilespmem:$0x2080] =	vst v0;
	v0 =	vld [tilespmem:$0x2020]  }
0x3b: {  	v1 =	vld.idx.msk [tilespmem:v1+s2+$0x0], $0xffff;
	_ =	sdelay $0x5  }
0x3c: {  	[tilespmem:$0x2090] =	vst v1;
	v1 =	vld [tilespmem:$0x2030]  }
0x3d: {  	v0 =	vld.idx.msk [tilespmem:v0+s2+$0x0], $0xffff;
	_ =	sdelay $0x5  }
0x3e: {  	[tilespmem:$0x20A0] =	vst v0;
	v0 =	vld [tilespmem:$0x2040]  }
0x3f: {  	v1 =	vld.idx.msk [tilespmem:v1+s2+$0x0], $0xffff;
	_ =	sdelay $0x5  }
0x40: {  	[tilespmem:$0x20B0] =	vst v1;
	v1 =	vld [tilespmem:$0x2050]  }
0x41: {  	v0 =	vld.idx.msk [tilespmem:v0+s2+$0x0], $0xffff;
	_ =	sdelay $0x5  }
0x42: {  	[tilespmem:$0x20C0] =	vst v0;
	v0 =	vld [tilespmem:$0x2060]  }
0x43: {  	v1 =	vld.idx.msk [tilespmem:v1+s2+$0x0], $0xffff;
	_ =	sdelay $0x5  }
0x44: {  	[tilespmem:$0x20D0] =	vst v1;
	v1 =	vld [tilespmem:$0x2070]  }
0x45: {  	v0 =	vld.idx.msk [tilespmem:v0+s2+$0x0], $0xffff;
	_ =	sdelay $0x5  }
0x46: {  	[tilespmem:$0x20E0] =	vst v0  }
0x47: {  	v0 =	vld.idx.msk [tilespmem:v1+s2+$0x0], $0xffff;
	_ =	sdelay $0x4  }
.Ltmp1:
0x48: {  	(pc) =	sbr.rel @p0 .LBB2_1-.Ltmp1, $4  }
0x49: {  	[tilespmem:$0x20F0] =	vst v0  }
0x4a: {  	[hbm4b:s7+s2] =	stream.linear.scatter [tilespmem:s8], [sflag:$0x1], $0x80, $0x38;
	[tilespmem:$0x2100] =	vst v63  }
0x4b: {  	_ =	swait.ge [sflag:s4], $0x80  }
0x4c: {  	[sflag:s4] =	ssyncset.done $0x0  }
.LBB2_2:
0x4d: {  	[sflag:s4] =	ssyncadd.s32 $0xFFFFFF80  }
0x4e: {  	_ =	sfence.sel $0x180000  }
0x4f: {  	[bflag:$0x0] =	sbarrier.arrive $0xFFFF  }
0x50: {  	p0 =	sne.s32 s1, $0x0;
	_ =	strace $0x90000047  }
0x51: {  	s0 =	sadd.s32 @!p0 $0x100000, s0;
	[bflag:$0x2] =	sbarrier.arrive $0xFFFF  }
0x52: {  	[sflag:s0] =	ssyncadd.tile.s32 @!p0 $0x1;
	_ =	shalt  }
.Lfunc_end2:
_tile_overlayer_lowered:
.L_overlay_start_2:
0x53: {  	(tag) =	ssettag $0x2  }
0x54: {  	s0 =	rddreg [dreg:$0x0];
	s2 =	stileid.u32  }
0x55: {  	s1 =	rddreg [dreg:$0x1];
	p0 =	sne.s32 s2, $0x0  }
0x56: {  	s3 =	rddreg [dreg:$0x2];
	[bflag:$0x3] =	sbarrier.arrive $0xFFFF;
	s2 =	simm.s32 @!p0 $0x1C01  }
0x57: {  	[timem:s3], [sflag:s2] =	dma.local @!p0 [hbm:s0], s1  }
0x58: {  	s0 =	simm.s32 @!p0 $0x1  }
0x59: {  	_ =	swait.ge @!p0 [sflag:s0], s1  }
0x5a: {  	s1 =	ssub.s32 @!p0 $0x0, s1;
	[sflag:s0] =	ssyncset.done @!p0 $0x0  }
0x5b: {  	[sflag:s0] =	ssyncadd.s32 @!p0 s1  }
0x5c: {  	[bflag:$0x3] =	sbarrier.arrive $0xFFFF  }
0x5d: {  	_ =	shalt  }

</sc_bundles>
